<compile_context>
chip_gen: v7x
topology: tpu7x:2x2x1
jax: 0.10.2.dev20260603
libtpu: 0.0.44.dev20260713+nightly
codegen_flags: <defaults>
</compile_context>

<pallas_src>
import functools

import jax
import jax.numpy as jnp
import numpy as np
from jax import lax
from jax.experimental import pallas as pl
from jax.experimental.pallas import tpu as pltpu
from jax.experimental.pallas import tpu_sc as plsc

B = 4096
F = 26
V = 100000
D = 64
DIN = 13
NF = F + 1
NN = NF * NF
BB = 512


def _sc_gather(table, idx):
    info = plsc.get_sparse_core_info()
    nc, ns = info.num_cores, info.num_subcores
    nw = nc * ns
    n = idx.shape[0]
    per_w = n // nw
    ch = 128
    n_ch = per_w // ch
    assert per_w % ch == 0

    mesh = plsc.VectorSubcoreMesh(core_axis_name="c", subcore_axis_name="s")

    @functools.partial(
        pl.kernel,
        mesh=mesh,
        out_type=jax.ShapeDtypeStruct((n, 2 * D), jnp.float32),
        scratch_types=[
            pltpu.VMEM((ch,), jnp.int32),
            pltpu.VMEM((ch, 2 * D), jnp.float32),
            pltpu.SemaphoreType.DMA,
        ],
        compiler_params=pltpu.CompilerParams(use_tc_tiling_on_sc=True),
    )
    def k(table_hbm, idx_hbm, out_hbm, idx_v, rows_v, sem):
        wid = lax.axis_index("s") * nc + lax.axis_index("c")
        base = wid * per_w

        def body(i, carry):
            off = base + i * ch
            pltpu.sync_copy(idx_hbm.at[pl.ds(off, ch)], idx_v)
            pltpu.async_copy(table_hbm.at[idx_v], rows_v, sem).wait()
            pltpu.sync_copy(rows_v, out_hbm.at[pl.ds(off, ch)])
            return carry

        lax.fori_loop(0, n_ch, body, 0)

    return k(table, idx)


def _tc_body(d_ref, emb_ref, dw0, db0, dw1, db1, dw2, db2,
             ow0a, w729, ob0, ow1, ob1, ow2, ob2, ow3, ob3, ow4, ob4,
             out_ref):
    f32 = jnp.float32
    x = d_ref[...]
    x = jnp.maximum(jnp.dot(x, dw0[...], preferred_element_type=f32) + db0[...], 0.0)
    x = jnp.maximum(jnp.dot(x, dw1[...], preferred_element_type=f32) + db1[...], 0.0)
    x = jnp.maximum(jnp.dot(x, dw2[...], preferred_element_type=f32) + db2[...], 0.0)
    pk = emb_ref[...]
    rp = lax.broadcasted_iota(jnp.int32, (BB * F, 1), 0) % 2
    sel = jnp.broadcast_to(rp == 1, (BB * F, D))
    emb2 = jnp.where(sel, pk[:, D:], pk[:, :D])
    emb = emb2.reshape(BB, F, D)
    comb = jnp.concatenate([x[:, None, :], emb], axis=1)
    z = lax.dot_general(comb, comb, (((2,), (2,)), ((0,), (0,))),
                        preferred_element_type=f32)
    zf = z.reshape(BB, NN)
    h = (jnp.dot(x, ow0a[...], preferred_element_type=f32)
         + jnp.dot(zf, w729[...], preferred_element_type=f32) + ob0[...])
    h = jnp.maximum(h, 0.0)
    h = jnp.maximum(jnp.dot(h, ow1[...], preferred_element_type=f32) + ob1[...], 0.0)
    h = jnp.maximum(jnp.dot(h, ow2[...], preferred_element_type=f32) + ob2[...], 0.0)
    h = jnp.maximum(jnp.dot(h, ow3[...], preferred_element_type=f32) + ob3[...], 0.0)
    out_ref[...] = jnp.dot(h, ow4[...], preferred_element_type=f32) + ob4[...]


_IU, _JU = np.triu_indices(NF, k=1)
_PAIR_FLAT = (_IU * NF + _JU).astype(np.int32)


def _tc_forward(dense_features, emb_flat, dw0, db0, dw1, db1, dw2, db2,
                ow0, ob0, ow1, ob1, ow2, ob2, ow3, ob3, ow4, ob4):
    ow0a = ow0[:D]
    w729 = jnp.zeros((NN, ow0.shape[1]), jnp.float32).at[_PAIR_FLAT].set(ow0[D:])

    def row(b):
        return b.reshape(1, -1)

    grid = B // BB
    weights = (dw0, row(db0), dw1, row(db1), dw2, row(db2),
               ow0a, w729, row(ob0), ow1, row(ob1), ow2, row(ob2),
               ow3, row(ob3), ow4, row(ob4))

    def wspec(w):
        return pl.BlockSpec(w.shape, lambda i: (0,) * w.ndim)

    out = pl.pallas_call(
        _tc_body,
        grid=(grid,),
        in_specs=[
            pl.BlockSpec((BB, DIN), lambda i: (i, 0)),
            pl.BlockSpec((BB * F, 2 * D), lambda i: (i, 0)),
        ] + [wspec(w) for w in weights],
        out_specs=pl.BlockSpec((BB, 1), lambda i: (i, 0)),
        out_shape=jax.ShapeDtypeStruct((B, 1), jnp.float32),
    )(dense_features, emb_flat, *weights)
    return out


def kernel(dense_features, sparse_features, emb_tables,
           dw0, db0, dw1, db1, dw2, db2,
           ow0, ob0, ow1, ob1, ow2, ob2, ow3, ob3, ow4, ob4):
    tt = jnp.transpose(emb_tables, (0, 2, 1)).reshape(F * D, V)
    table_pk = jnp.transpose(tt, (1, 0)).reshape(V * (F // 2), 2 * D)
    v = sparse_features.astype(jnp.int32)
    idx = (v * (F // 2)
           + (jnp.arange(F, dtype=jnp.int32) // 2)[None, :]).reshape(B * F)
    emb_flat = _sc_gather(table_pk, idx)
    return _tc_forward(dense_features, emb_flat, dw0, db0, dw1, db1, dw2, db2,
                       ow0, ob0, ow1, ob1, ow2, ob2, ow3, ob3, ow4, ob4)

# --- scband reference (transcript-rebuilt; emitter-appended) ---
"""Pipeline reference for scband-hybrid-parallel-dlrm-16707422781540 (READ-ONLY COPY).

The authoritative reference and input builder live on the scoring server;
editing this copy changes nothing except your own understanding.
"""

import jax, jax.numpy as jnp
import numpy as np

B = 4096
F = 26
V = 100000
D = 64
DIN = 13
DENSE_SIZES = [DIN, 512, 256, D]
OVER_IN = D + (F + 1) * F // 2
OVER_SIZES = [OVER_IN, 1024, 1024, 512, 256, 1]


def setup_inputs(seed: int = 0) -> dict:
    key = jax.random.key(seed)
    ks = jax.random.split(key, 24)
    inp = {}
    inp['dense_features'] = jax.random.normal(ks[0], (B, DIN), dtype=jnp.float32)
    inp['sparse_features'] = jax.random.randint(ks[1], (B, F), 0, V)
    inp['emb_tables'] = jax.random.normal(ks[2], (F, V, D), dtype=jnp.float32) * 0.01
    for i in range(3):
        inp['dw%d' % i] = jax.random.normal(ks[3 + 2 * i], (DENSE_SIZES[i], DENSE_SIZES[i + 1]), dtype=jnp.float32) * (1.0 / np.sqrt(DENSE_SIZES[i]))
        inp['db%d' % i] = jnp.zeros((DENSE_SIZES[i + 1],), dtype=jnp.float32)
    for i in range(5):
        inp['ow%d' % i] = jax.random.normal(ks[10 + 2 * i], (OVER_SIZES[i], OVER_SIZES[i + 1]), dtype=jnp.float32) * (1.0 / np.sqrt(OVER_SIZES[i]))
        inp['ob%d' % i] = jnp.zeros((OVER_SIZES[i + 1],), dtype=jnp.float32)
    return inp


def _forward(dense_features, sparse_features, emb_tables, dws, dbs, ows, obs):
    # Sparse arch: per-feature embedding lookup (F tables, one index per feature)
    emb = emb_tables[jnp.arange(F)[None, :], sparse_features]  # (B, F, D)
    # Dense arch: MLP with ReLU on every layer
    x = dense_features
    for w, b in zip(dws, dbs):
        x = jax.nn.relu(x @ w + b)
    # Interaction arch: pairwise dot products of [dense_embed; sparse_embeds]
    combined = jnp.concatenate([x[:, None, :], emb], axis=1)  # (B, F+1, D)
    Z = jnp.einsum('bnd,bmd->bnm', combined, combined)  # (B, F+1, F+1)
    iu, ju = jnp.triu_indices(F + 1, k=1)
    inter = Z[:, iu, ju]  # (B, C(F+1,2))
    y = jnp.concatenate([x, inter], axis=1)  # (B, D + C(F,2) + F)
    # Over arch: MLP, ReLU on all but last layer
    n = len(ows)
    for i, (w, b) in enumerate(zip(ows, obs)):
        y = y @ w + b
        if i < n - 1:
            y = jax.nn.relu(y)
    return y


def reference(dense_features, sparse_features, emb_tables, dw0, db0, dw1, db1, dw2, db2, ow0, ob0, ow1, ob1, ow2, ob2, ow3, ob3, ow4, ob4):
    return _forward(dense_features, sparse_features, emb_tables,
                    [dw0, dw1, dw2], [db0, db1, db2],
                    [ow0, ow1, ow2, ow3, ow4], [ob0, ob1, ob2, ob3, ob4])

if __name__ == "__main__":
    import jax
    _d = setup_inputs()
    print(jax.jit(kernel)(*tuple(_d.values())))

</pallas_src>

<mosaic_0001>
#map = affine_map<(d0, d1) -> (0, 0)>
#map1 = affine_map<(d0, d1) -> (0)>
module attributes {stable_mosaic.version = 14 : i64} {
  func.func @k(%arg0: i32, %arg1: i32, %arg2: memref<1300000x128xf32, #tpu.memory_space<hbm>>, %arg3: memref<106496xi32, #tpu.memory_space<hbm>>, %arg4: memref<106496x128xf32, #tpu.memory_space<hbm>>, %arg5: memref<128xi32, #tpu.memory_space<vmem>>, %arg6: memref<128x128xf32, #tpu.memory_space<vmem>>, %arg7: memref<!tpu.dma_semaphore, #tpu.memory_space<semaphore_mem>>) attributes {dimension_semantics = [#tpu.dimension_semantics<core_parallel>, #tpu.dimension_semantics<subcore_parallel>], iteration_bounds = array<i64: 2, 16>, scalar_prefetch = 0 : i64, scratch_operands = 3 : i64, tpu.core_type = #tpu.core_type<sc_vector_subcore>, window_params = [{transform_indices = #map}, {transform_indices = #map1}, {transform_indices = #map}]} {
    %mul3A = arith.constant 2 : i32
    %mul3A_0 = arith.muli %arg1, %mul3A : i32
    %add3A = arith.addi %mul3A_0, %arg0 : i32
    %mul3A_1 = arith.constant 3328 : i32
    %mul3A_2 = arith.muli %add3A, %mul3A_1 : i32
    %scan3A = arith.constant 0 : i32
    %scan3A_3 = arith.constant 0 : i32
    %scan3A_4 = arith.constant 26 : i32
    %scan3A_5 = arith.addi %scan3A_3, %scan3A_4 : i32
    %scan3A_6 = arith.constant 1 : i32
    scf.for %scan3A_8 = %scan3A_3 to %scan3A_5 step %scan3A_6  : i32 {
      %mul3A_9 = arith.constant 128 : i32
      %mul3A_10 = arith.muli %scan3A_8, %mul3A_9 : i32
      %add3A_11 = arith.addi %mul3A_2, %mul3A_10 : i32
      "tpu.region"() ({
        %run_scoped3A = tpu.sem_alloc : memref<!tpu.dma_semaphore, #tpu.memory_space<semaphore_mem>>
        %dma_start3A_16 = tpu.memref_slice %arg3[%add3A_11] : memref<106496xi32, #tpu.memory_space<hbm>> -> memref<128xi32, #tpu.memory_space<hbm>>
        %dma_start3A_17 = tpu.memref_slice %arg3[%add3A_11] : memref<106496xi32, #tpu.memory_space<hbm>> -> memref<128xi32, #tpu.memory_space<hbm>>
        tpu.enqueue_dma source(%dma_start3A_17 : memref<128xi32, #tpu.memory_space<hbm>>) target(%arg5 : memref<128xi32, #tpu.memory_space<vmem>>) target_semaphore(%run_scoped3A : memref<!tpu.dma_semaphore, #tpu.memory_space<semaphore_mem>>)
        %dma_wait3A_18 = tpu.memref_slice %arg3[%add3A_11] : memref<106496xi32, #tpu.memory_space<hbm>> -> memref<128xi32, #tpu.memory_space<hbm>>
        %dma_wait3A_19 = tpu.memref_slice %arg3[%add3A_11] : memref<106496xi32, #tpu.memory_space<hbm>> -> memref<128xi32, #tpu.memory_space<hbm>>
        tpu.wait_dma2 semaphore(%run_scoped3A : memref<!tpu.dma_semaphore, #tpu.memory_space<semaphore_mem>>) src(%dma_wait3A_19 : memref<128xi32, #tpu.memory_space<hbm>>) dst(%arg5 : memref<128xi32, #tpu.memory_space<vmem>>)
        tpu.yield
      }) : () -> ()
      %dma_start3A = arith.constant 0 : i32
      %dma_start3A_12 = arith.constant 0 : i32
      %dma_start3A_13 = tpu.memref_slice %arg2[%dma_start3A, %dma_start3A_12] : memref<1300000x128xf32, #tpu.memory_space<hbm>> -> memref<1300000x128xf32, #tpu.memory_space<hbm>>
      tpu.enqueue_indirect_dma source(%dma_start3A_13 : memref<1300000x128xf32, #tpu.memory_space<hbm>>) target(%arg6 : memref<128x128xf32, #tpu.memory_space<vmem>>) offsets(%arg5 : memref<128xi32, #tpu.memory_space<vmem>>) semaphore(%arg7 : memref<!tpu.dma_semaphore, #tpu.memory_space<semaphore_mem>>)
      %dma_wait3A = arith.constant 0 : i32
      %dma_wait3A_14 = arith.constant 0 : i32
      %dma_wait3A_15 = tpu.memref_slice %arg2[%dma_wait3A, %dma_wait3A_14] : memref<1300000x128xf32, #tpu.memory_space<hbm>> -> memref<1300000x128xf32, #tpu.memory_space<hbm>>
      tpu.wait_indirect_dma semaphore(%arg7 : memref<!tpu.dma_semaphore, #tpu.memory_space<semaphore_mem>>) src(%dma_wait3A_15 : memref<1300000x128xf32, #tpu.memory_space<hbm>>) dst(%arg6 : memref<128x128xf32, #tpu.memory_space<vmem>>)
      "tpu.region"() ({
        %run_scoped3A = tpu.sem_alloc : memref<!tpu.dma_semaphore, #tpu.memory_space<semaphore_mem>>
        %dma_start3A_16 = arith.constant 0 : i32
        %dma_start3A_17 = tpu.memref_slice %arg4[%add3A_11, %dma_start3A_16] : memref<106496x128xf32, #tpu.memory_space<hbm>> -> memref<128x128xf32, #tpu.memory_space<hbm>>
        %dma_start3A_18 = arith.constant 0 : i32
        %dma_start3A_19 = tpu.memref_slice %arg4[%add3A_11, %dma_start3A_18] : memref<106496x128xf32, #tpu.memory_space<hbm>> -> memref<128x128xf32, #tpu.memory_space<hbm>>
        tpu.enqueue_dma source(%arg6 : memref<128x128xf32, #tpu.memory_space<vmem>>) target(%dma_start3A_19 : memref<128x128xf32, #tpu.memory_space<hbm>>) target_semaphore(%run_scoped3A : memref<!tpu.dma_semaphore, #tpu.memory_space<semaphore_mem>>)
        %dma_wait3A_20 = arith.constant 0 : i32
        %dma_wait3A_21 = tpu.memref_slice %arg4[%add3A_11, %dma_wait3A_20] : memref<106496x128xf32, #tpu.memory_space<hbm>> -> memref<128x128xf32, #tpu.memory_space<hbm>>
        %dma_wait3A_22 = arith.constant 0 : i32
        %dma_wait3A_23 = tpu.memref_slice %arg4[%add3A_11, %dma_wait3A_22] : memref<106496x128xf32, #tpu.memory_space<hbm>> -> memref<128x128xf32, #tpu.memory_space<hbm>>
        tpu.wait_dma2 semaphore(%run_scoped3A : memref<!tpu.dma_semaphore, #tpu.memory_space<semaphore_mem>>) src(%arg6 : memref<128x128xf32, #tpu.memory_space<vmem>>) dst(%dma_wait3A_23 : memref<128x128xf32, #tpu.memory_space<hbm>>)
        tpu.yield
      }) : () -> ()
    }
    %scan3A_7 = arith.constant 26 : i32
    return
  }
}

module attributes {stable_mosaic.version = 14 : i64} {
  func.func @_tc_body(%arg0: i32, %arg1: memref<512x13xf32, #tpu.memory_space<vmem>>, %arg2: memref<13312x128xf32, #tpu.memory_space<vmem>>, %arg3: memref<13x512xf32, #tpu.memory_space<vmem>>, %arg4: memref<1x512xf32, #tpu.memory_space<vmem>>, %arg5: memref<512x256xf32, #tpu.memory_space<vmem>>, %arg6: memref<1x256xf32, #tpu.memory_space<vmem>>, %arg7: memref<256x64xf32, #tpu.memory_space<vmem>>, %arg8: memref<1x64xf32, #tpu.memory_space<vmem>>, %arg9: memref<64x1024xf32, #tpu.memory_space<vmem>>, %arg10: memref<729x1024xf32, #tpu.memory_space<vmem>>, %arg11: memref<1x1024xf32, #tpu.memory_space<vmem>>, %arg12: memref<1024x1024xf32, #tpu.memory_space<vmem>>, %arg13: memref<1x1024xf32, #tpu.memory_space<vmem>>, %arg14: memref<1024x512xf32, #tpu.memory_space<vmem>>, %arg15: memref<1x512xf32, #tpu.memory_space<vmem>>, %arg16: memref<512x256xf32, #tpu.memory_space<vmem>>, %arg17: memref<1x256xf32, #tpu.memory_space<vmem>>, %arg18: memref<256x1xf32, #tpu.memory_space<vmem>>, %arg19: memref<1x1xf32, #tpu.memory_space<vmem>>, %arg20: memref<512x1xf32, #tpu.memory_space<vmem>>) attributes {dimension_semantics = [#tpu.dimension_semantics<arbitrary>], iteration_bounds = array<i64: 8>, scalar_prefetch = 0 : i64, scratch_operands = 0 : i64, tpu.core_type = #tpu.core_type<tc>, window_params = [{transform_indices = @transform_0, window_bounds = array<i64: 512, 13>}, {transform_indices = @transform_1, window_bounds = array<i64: 13312, 128>}, {pipeline_mode = #tpu.pipeline_mode<synchronous>, transform_indices = @transform_2, window_bounds = array<i64: 13, 512>}, {pipeline_mode = #tpu.pipeline_mode<synchronous>, transform_indices = @transform_3, window_bounds = array<i64: 1, 512>}, {pipeline_mode = #tpu.pipeline_mode<synchronous>, transform_indices = @transform_4, window_bounds = array<i64: 512, 256>}, {pipeline_mode = #tpu.pipeline_mode<synchronous>, transform_indices = @transform_5, window_bounds = array<i64: 1, 256>}, {pipeline_mode = #tpu.pipeline_mode<synchronous>, transform_indices = @transform_6, window_bounds = array<i64: 256, 64>}, {pipeline_mode = #tpu.pipeline_mode<synchronous>, transform_indices = @transform_7, window_bounds = array<i64: 1, 64>}, {pipeline_mode = #tpu.pipeline_mode<synchronous>, transform_indices = @transform_8, window_bounds = array<i64: 64, 1024>}, {pipeline_mode = #tpu.pipeline_mode<synchronous>, transform_indices = @transform_9, window_bounds = array<i64: 729, 1024>}, {pipeline_mode = #tpu.pipeline_mode<synchronous>, transform_indices = @transform_10, window_bounds = array<i64: 1, 1024>}, {pipeline_mode = #tpu.pipeline_mode<synchronous>, transform_indices = @transform_11, window_bounds = array<i64: 1024, 1024>}, {pipeline_mode = #tpu.pipeline_mode<synchronous>, transform_indices = @transform_12, window_bounds = array<i64: 1, 1024>}, {pipeline_mode = #tpu.pipeline_mode<synchronous>, transform_indices = @transform_13, window_bounds = array<i64: 1024, 512>}, {pipeline_mode = #tpu.pipeline_mode<synchronous>, transform_indices = @transform_14, window_bounds = array<i64: 1, 512>}, {pipeline_mode = #tpu.pipeline_mode<synchronous>, transform_indices = @transform_15, window_bounds = array<i64: 512, 256>}, {pipeline_mode = #tpu.pipeline_mode<synchronous>, transform_indices = @transform_16, window_bounds = array<i64: 1, 256>}, {pipeline_mode = #tpu.pipeline_mode<synchronous>, transform_indices = @transform_17, window_bounds = array<i64: 256, 1>}, {pipeline_mode = #tpu.pipeline_mode<synchronous>, transform_indices = @transform_18, window_bounds = array<i64: 1, 1>}, {transform_indices = @transform_19, window_bounds = array<i64: 512, 1>}]} {
    %get3A = arith.constant 0 : index
    %get3A_0 = arith.constant 0 : index
    %get3A_1 = vector.load %arg1[%get3A, %get3A_0] : memref<512x13xf32, #tpu.memory_space<vmem>>, vector<512x13xf32>
    %get3A_2 = arith.constant 0 : index
    %get3A_3 = arith.constant 0 : index
    %get3A_4 = vector.load %arg3[%get3A_2, %get3A_3] : memref<13x512xf32, #tpu.memory_space<vmem>>, vector<13x512xf32>
    %dot_general3A = arith.constant dense<0.000000e+00> : vector<512x512xf32>
    %dot_general3A_5 = tpu.matmul %get3A_1, %get3A_4, %dot_general3A {dimension_numbers = #tpu.dot_dimension_numbers<[1], [0], [0], [1], [0, 0, 1, 1], [], []>, transpose_lhs_hint = false} : vector<512x13xf32>, vector<13x512xf32>, vector<512x512xf32> -> vector<512x512xf32>
    %get3A_6 = arith.constant 0 : index
    %get3A_7 = arith.constant 0 : index
    %get3A_8 = vector.load %arg4[%get3A_6, %get3A_7] : memref<1x512xf32, #tpu.memory_space<vmem>>, vector<1x512xf32>
    %add3A = vector.broadcast %get3A_8 : vector<1x512xf32> to vector<512x512xf32>
    %add3A_9 = arith.addf %dot_general3A_5, %add3A : vector<512x512xf32>
    %max3A = arith.constant 0.000000e+00 : f32
    %max3A_10 = vector.broadcast %max3A : f32 to vector<512x512xf32>
    %max3A_11 = arith.maximumf %add3A_9, %max3A_10 : vector<512x512xf32>
    %get3A_12 = arith.constant 0 : index
    %get3A_13 = arith.constant 0 : index
    %get3A_14 = vector.load %arg5[%get3A_12, %get3A_13] : memref<512x256xf32, #tpu.memory_space<vmem>>, vector<512x256xf32>
    %dot_general3A_15 = arith.constant dense<0.000000e+00> : vector<512x256xf32>
    %dot_general3A_16 = tpu.matmul %max3A_11, %get3A_14, %dot_general3A_15 {dimension_numbers = #tpu.dot_dimension_numbers<[1], [0], [0], [1], [0, 0, 1, 1], [], []>, transpose_lhs_hint = false} : vector<512x512xf32>, vector<512x256xf32>, vector<512x256xf32> -> vector<512x256xf32>
    %get3A_17 = arith.constant 0 : index
    %get3A_18 = arith.constant 0 : index
    %get3A_19 = vector.load %arg6[%get3A_17, %get3A_18] : memref<1x256xf32, #tpu.memory_space<vmem>>, vector<1x256xf32>
    %add3A_20 = vector.broadcast %get3A_19 : vector<1x256xf32> to vector<512x256xf32>
    %add3A_21 = arith.addf %dot_general3A_16, %add3A_20 : vector<512x256xf32>
    %max3A_22 = arith.constant 0.000000e+00 : f32
    %max3A_23 = vector.broadcast %max3A_22 : f32 to vector<512x256xf32>
    %max3A_24 = arith.maximumf %add3A_21, %max3A_23 : vector<512x256xf32>
    %get3A_25 = arith.constant 0 : index
    %get3A_26 = arith.constant 0 : index
    %get3A_27 = vector.load %arg7[%get3A_25, %get3A_26] : memref<256x64xf32, #tpu.memory_space<vmem>>, vector<256x64xf32>
    %dot_general3A_28 = arith.constant dense<0.000000e+00> : vector<512x64xf32>
    %dot_general3A_29 = tpu.matmul %max3A_24, %get3A_27, %dot_general3A_28 {dimension_numbers = #tpu.dot_dimension_numbers<[1], [0], [0], [1], [0, 0, 1, 1], [], []>, transpose_lhs_hint = false} : vector<512x256xf32>, vector<256x64xf32>, vector<512x64xf32> -> vector<512x64xf32>
    %get3A_30 = arith.constant 0 : index
    %get3A_31 = arith.constant 0 : index
    %get3A_32 = vector.load %arg8[%get3A_30, %get3A_31] : memref<1x64xf32, #tpu.memory_space<vmem>>, vector<1x64xf32>
    %add3A_33 = vector.broadcast %get3A_32 : vector<1x64xf32> to vector<512x64xf32>
    %add3A_34 = arith.addf %dot_general3A_29, %add3A_33 : vector<512x64xf32>
    %max3A_35 = arith.constant 0.000000e+00 : f32
    %max3A_36 = vector.broadcast %max3A_35 : f32 to vector<512x64xf32>
    %max3A_37 = arith.maximumf %add3A_34, %max3A_36 : vector<512x64xf32>
    %get3A_38 = arith.constant 0 : index
    %get3A_39 = arith.constant 0 : index
    %get3A_40 = vector.load %arg2[%get3A_38, %get3A_39] : memref<13312x128xf32, #tpu.memory_space<vmem>>, vector<13312x128xf32>
    %iota3A = tpu.iota {dimensions = array<i32: 0>} : vector<13312x1xi32>
    %jit3A = arith.constant 2 : i32
    %eq3A = arith.constant 0 : i32
    %eq3A_41 = arith.cmpi eq, %jit3A, %eq3A : i32
    %jit3A_42 = arith.constant 1 : i32
    %select_n3A = arith.select %eq3A_41, %jit3A_42, %jit3A : i32
    %rem3A = vector.broadcast %select_n3A : i32 to vector<13312x1xi32>
    %rem3A_43 = arith.remsi %iota3A, %rem3A : vector<13312x1xi32>
    %ne3A = arith.constant 0 : i32
    %ne3A_44 = vector.broadcast %ne3A : i32 to vector<13312x1xi32>
    %ne3A_45 = arith.cmpi ne, %rem3A_43, %ne3A_44 : vector<13312x1xi32>
    %lt3A = arith.constant 0 : i32
    %lt3A_46 = vector.broadcast %lt3A : i32 to vector<13312x1xi32>
    %lt3A_47 = arith.cmpi slt, %rem3A_43, %lt3A_46 : vector<13312x1xi32>
    %lt3A_48 = arith.constant 0 : i32
    %lt3A_49 = arith.cmpi slt, %select_n3A, %lt3A_48 : i32
    %ne3A_50 = vector.broadcast %lt3A_49 : i1 to vector<13312x1xi1>
    %ne3A_51 = vector.broadcast %ne3A_50 : vector<13312x1xi1> to vector<13312x1xi1>
    %ne3A_52 = arith.xori %lt3A_47, %ne3A_51 : vector<13312x1xi1>
    %and3A = arith.andi %ne3A_52, %ne3A_45 : vector<13312x1xi1>
    %add3A_53 = vector.broadcast %select_n3A : i32 to vector<13312x1xi32>
    %add3A_54 = arith.addi %rem3A_43, %add3A_53 : vector<13312x1xi32>
    %select_n3A_55 = arith.select %and3A, %add3A_54, %rem3A_43 : vector<13312x1xi1>, vector<13312x1xi32>
    %eq3A_56 = arith.constant 1 : i32
    %eq3A_57 = vector.broadcast %eq3A_56 : i32 to vector<13312x1xi32>
    %eq3A_58 = arith.cmpi eq, %select_n3A_55, %eq3A_57 : vector<13312x1xi32>
    %broadcast_in_dim3A = vector.shape_cast %eq3A_58 : vector<13312x1xi1> to vector<13312x1xi1>
    %broadcast_in_dim3A_59 = vector.broadcast %broadcast_in_dim3A : vector<13312x1xi1> to vector<13312x64xi1>
    %slice3A = vector.extract_strided_slice %get3A_40 {offsets = [0, 64], sizes = [13312, 64], strides = [1, 1]} : vector<13312x128xf32> to vector<13312x64xf32>
    %slice3A_60 = vector.extract_strided_slice %get3A_40 {offsets = [0, 0], sizes = [13312, 64], strides = [1, 1]} : vector<13312x128xf32> to vector<13312x64xf32>
    %select_n3A_61 = arith.select %broadcast_in_dim3A_59, %slice3A, %slice3A_60 : vector<13312x64xi1>, vector<13312x64xf32>
    %reshape3A = vector.shape_cast %select_n3A_61 : vector<13312x64xf32> to vector<512x26x64xf32>
    %broadcast_in_dim3A_62 = vector.shape_cast %max3A_37 : vector<512x64xf32> to vector<512x1x64xf32>
    %concatenate3A = tpu.concatenate %broadcast_in_dim3A_62, %reshape3A in 1 : vector<512x1x64xf32>, vector<512x26x64xf32> -> vector<512x27x64xf32>
    %dot_general3A_63 = arith.constant dense<0.000000e+00> : vector<512x27x27xf32>
    %dot_general3A_64 = tpu.matmul %concatenate3A, %concatenate3A, %dot_general3A_63 {dimension_numbers = #tpu.dot_dimension_numbers<[2], [2], [1], [1], [0, 0, 0, 1, 1, 1], [0], [0]>, transpose_lhs_hint = false} : vector<512x27x64xf32>, vector<512x27x64xf32>, vector<512x27x27xf32> -> vector<512x27x27xf32>
    %reshape3A_65 = vector.shape_cast %dot_general3A_64 : vector<512x27x27xf32> to vector<512x729xf32>
    %get3A_66 = arith.constant 0 : index
    %get3A_67 = arith.constant 0 : index
    %get3A_68 = vector.load %arg9[%get3A_66, %get3A_67] : memref<64x1024xf32, #tpu.memory_space<vmem>>, vector<64x1024xf32>
    %dot_general3A_69 = arith.constant dense<0.000000e+00> : vector<512x1024xf32>
    %dot_general3A_70 = tpu.matmul %max3A_37, %get3A_68, %dot_general3A_69 {dimension_numbers = #tpu.dot_dimension_numbers<[1], [0], [0], [1], [0, 0, 1, 1], [], []>, transpose_lhs_hint = false} : vector<512x64xf32>, vector<64x1024xf32>, vector<512x1024xf32> -> vector<512x1024xf32>
    %get3A_71 = arith.constant 0 : index
    %get3A_72 = arith.constant 0 : index
    %get3A_73 = vector.load %arg10[%get3A_71, %get3A_72] : memref<729x1024xf32, #tpu.memory_space<vmem>>, vector<729x1024xf32>
    %dot_general3A_74 = arith.constant dense<0.000000e+00> : vector<512x1024xf32>
    %dot_general3A_75 = tpu.matmul %reshape3A_65, %get3A_73, %dot_general3A_74 {dimension_numbers = #tpu.dot_dimension_numbers<[1], [0], [0], [1], [0, 0, 1, 1], [], []>, transpose_lhs_hint = false} : vector<512x729xf32>, vector<729x1024xf32>, vector<512x1024xf32> -> vector<512x1024xf32>
    %add3A_76 = arith.addf %dot_general3A_70, %dot_general3A_75 : vector<512x1024xf32>
    %get3A_77 = arith.constant 0 : index
    %get3A_78 = arith.constant 0 : index
    %get3A_79 = vector.load %arg11[%get3A_77, %get3A_78] : memref<1x1024xf32, #tpu.memory_space<vmem>>, vector<1x1024xf32>
    %add3A_80 = vector.broadcast %get3A_79 : vector<1x1024xf32> to vector<512x1024xf32>
    %add3A_81 = arith.addf %add3A_76, %add3A_80 : vector<512x1024xf32>
    %max3A_82 = arith.constant 0.000000e+00 : f32
    %max3A_83 = vector.broadcast %max3A_82 : f32 to vector<512x1024xf32>
    %max3A_84 = arith.maximumf %add3A_81, %max3A_83 : vector<512x1024xf32>
    %get3A_85 = arith.constant 0 : index
    %get3A_86 = arith.constant 0 : index
    %get3A_87 = vector.load %arg12[%get3A_85, %get3A_86] : memref<1024x1024xf32, #tpu.memory_space<vmem>>, vector<1024x1024xf32>
    %dot_general3A_88 = arith.constant dense<0.000000e+00> : vector<512x1024xf32>
    %dot_general3A_89 = tpu.matmul %max3A_84, %get3A_87, %dot_general3A_88 {dimension_numbers = #tpu.dot_dimension_numbers<[1], [0], [0], [1], [0, 0, 1, 1], [], []>, transpose_lhs_hint = false} : vector<512x1024xf32>, vector<1024x1024xf32>, vector<512x1024xf32> -> vector<512x1024xf32>
    %get3A_90 = arith.constant 0 : index
    %get3A_91 = arith.constant 0 : index
    %get3A_92 = vector.load %arg13[%get3A_90, %get3A_91] : memref<1x1024xf32, #tpu.memory_space<vmem>>, vector<1x1024xf32>
    %add3A_93 = vector.broadcast %get3A_92 : vector<1x1024xf32> to vector<512x1024xf32>
    %add3A_94 = arith.addf %dot_general3A_89, %add3A_93 : vector<512x1024xf32>
    %max3A_95 = arith.constant 0.000000e+00 : f32
    %max3A_96 = vector.broadcast %max3A_95 : f32 to vector<512x1024xf32>
    %max3A_97 = arith.maximumf %add3A_94, %max3A_96 : vector<512x1024xf32>
    %get3A_98 = arith.constant 0 : index
    %get3A_99 = arith.constant 0 : index
    %get3A_100 = vector.load %arg14[%get3A_98, %get3A_99] : memref<1024x512xf32, #tpu.memory_space<vmem>>, vector<1024x512xf32>
    %dot_general3A_101 = arith.constant dense<0.000000e+00> : vector<512x512xf32>
    %dot_general3A_102 = tpu.matmul %max3A_97, %get3A_100, %dot_general3A_101 {dimension_numbers = #tpu.dot_dimension_numbers<[1], [0], [0], [1], [0, 0, 1, 1], [], []>, transpose_lhs_hint = false} : vector<512x1024xf32>, vector<1024x512xf32>, vector<512x512xf32> -> vector<512x512xf32>
    %get3A_103 = arith.constant 0 : index
    %get3A_104 = arith.constant 0 : index
    %get3A_105 = vector.load %arg15[%get3A_103, %get3A_104] : memref<1x512xf32, #tpu.memory_space<vmem>>, vector<1x512xf32>
    %add3A_106 = vector.broadcast %get3A_105 : vector<1x512xf32> to vector<512x512xf32>
    %add3A_107 = arith.addf %dot_general3A_102, %add3A_106 : vector<512x512xf32>
    %max3A_108 = arith.constant 0.000000e+00 : f32
    %max3A_109 = vector.broadcast %max3A_108 : f32 to vector<512x512xf32>
    %max3A_110 = arith.maximumf %add3A_107, %max3A_109 : vector<512x512xf32>
    %get3A_111 = arith.constant 0 : index
    %get3A_112 = arith.constant 0 : index
    %get3A_113 = vector.load %arg16[%get3A_111, %get3A_112] : memref<512x256xf32, #tpu.memory_space<vmem>>, vector<512x256xf32>
    %dot_general3A_114 = arith.constant dense<0.000000e+00> : vector<512x256xf32>
    %dot_general3A_115 = tpu.matmul %max3A_110, %get3A_113, %dot_general3A_114 {dimension_numbers = #tpu.dot_dimension_numbers<[1], [0], [0], [1], [0, 0, 1, 1], [], []>, transpose_lhs_hint = false} : vector<512x512xf32>, vector<512x256xf32>, vector<512x256xf32> -> vector<512x256xf32>
    %get3A_116 = arith.constant 0 : index
    %get3A_117 = arith.constant 0 : index
    %get3A_118 = vector.load %arg17[%get3A_116, %get3A_117] : memref<1x256xf32, #tpu.memory_space<vmem>>, vector<1x256xf32>
    %add3A_119 = vector.broadcast %get3A_118 : vector<1x256xf32> to vector<512x256xf32>
    %add3A_120 = arith.addf %dot_general3A_115, %add3A_119 : vector<512x256xf32>
    %max3A_121 = arith.constant 0.000000e+00 : f32
    %max3A_122 = vector.broadcast %max3A_121 : f32 to vector<512x256xf32>
    %max3A_123 = arith.maximumf %add3A_120, %max3A_122 : vector<512x256xf32>
    %get3A_124 = arith.constant 0 : index
    %get3A_125 = arith.constant 0 : index
    %get3A_126 = vector.load %arg18[%get3A_124, %get3A_125] : memref<256x1xf32, #tpu.memory_space<vmem>>, vector<256x1xf32>
    %dot_general3A_127 = arith.constant dense<0.000000e+00> : vector<512x1xf32>
    %dot_general3A_128 = tpu.matmul %max3A_123, %get3A_126, %dot_general3A_127 {dimension_numbers = #tpu.dot_dimension_numbers<[1], [0], [0], [1], [0, 0, 1, 1], [], []>, transpose_lhs_hint = false} : vector<512x256xf32>, vector<256x1xf32>, vector<512x1xf32> -> vector<512x1xf32>
    %get3A_129 = arith.constant 0 : index
    %get3A_130 = arith.constant 0 : index
    %get3A_131 = vector.load %arg19[%get3A_129, %get3A_130] : memref<1x1xf32, #tpu.memory_space<vmem>>, vector<1x1xf32>
    %add3A_132 = vector.broadcast %get3A_131 : vector<1x1xf32> to vector<512x1xf32>
    %add3A_133 = arith.addf %dot_general3A_128, %add3A_132 : vector<512x1xf32>
    %swap3A = arith.constant 0 : index
    %swap3A_134 = arith.constant 0 : index
    %swap3A_135 = vector.load %arg20[%swap3A, %swap3A_134] : memref<512x1xf32, #tpu.memory_space<vmem>>, vector<512x1xf32>
    tpu.vector_store %arg20[%swap3A, %swap3A_134], %add3A_133 {strides = array<i32>} : memref<512x1xf32, #tpu.memory_space<vmem>>, vector<512x1xf32>,
    return
  }
  func.func @transform_0(%arg0: i32) -> (i32, i32) {
    %c0_i32 = arith.constant 0 : i32
    %c0_i32_0 = arith.constant 0 : i32
    return %arg0, %c0_i32 : i32, i32
  }
  func.func @transform_1(%arg0: i32) -> (i32, i32) {
    %c0_i32 = arith.constant 0 : i32
    %c0_i32_0 = arith.constant 0 : i32
    return %arg0, %c0_i32 : i32, i32
  }
  func.func @transform_2(%arg0: i32) -> (i32, i32) {
    %c0_i32 = arith.constant 0 : i32
    %c0_i32_0 = arith.constant 0 : i32
    %c0_i32_1 = arith.constant 0 : i32
    return %c0_i32, %c0_i32_0 : i32, i32
  }
  func.func @transform_3(%arg0: i32) -> (i32, i32) {
    %c0_i32 = arith.constant 0 : i32
    %c0_i32_0 = arith.constant 0 : i32
    %c0_i32_1 = arith.constant 0 : i32
    return %c0_i32, %c0_i32_0 : i32, i32
  }
  func.func @transform_4(%arg0: i32) -> (i32, i32) {
    %c0_i32 = arith.constant 0 : i32
    %c0_i32_0 = arith.constant 0 : i32
    %c0_i32_1 = arith.constant 0 : i32
    return %c0_i32, %c0_i32_0 : i32, i32
  }
  func.func @transform_5(%arg0: i32) -> (i32, i32) {
    %c0_i32 = arith.constant 0 : i32
    %c0_i32_0 = arith.constant 0 : i32
    %c0_i32_1 = arith.constant 0 : i32
    return %c0_i32, %c0_i32_0 : i32, i32
  }
  func.func @transform_6(%arg0: i32) -> (i32, i32) {
    %c0_i32 = arith.constant 0 : i32
    %c0_i32_0 = arith.constant 0 : i32
    %c0_i32_1 = arith.constant 0 : i32
    return %c0_i32, %c0_i32_0 : i32, i32
  }
  func.func @transform_7(%arg0: i32) -> (i32, i32) {
    %c0_i32 = arith.constant 0 : i32
    %c0_i32_0 = arith.constant 0 : i32
    %c0_i32_1 = arith.constant 0 : i32
    return %c0_i32, %c0_i32_0 : i32, i32
  }
  func.func @transform_8(%arg0: i32) -> (i32, i32) {
    %c0_i32 = arith.constant 0 : i32
    %c0_i32_0 = arith.constant 0 : i32
    %c0_i32_1 = arith.constant 0 : i32
    return %c0_i32, %c0_i32_0 : i32, i32
  }
  func.func @transform_9(%arg0: i32) -> (i32, i32) {
    %c0_i32 = arith.constant 0 : i32
    %c0_i32_0 = arith.constant 0 : i32
    %c0_i32_1 = arith.constant 0 : i32
    return %c0_i32, %c0_i32_0 : i32, i32
  }
  func.func @transform_10(%arg0: i32) -> (i32, i32) {
    %c0_i32 = arith.constant 0 : i32
    %c0_i32_0 = arith.constant 0 : i32
    %c0_i32_1 = arith.constant 0 : i32
    return %c0_i32, %c0_i32_0 : i32, i32
  }
  func.func @transform_11(%arg0: i32) -> (i32, i32) {
    %c0_i32 = arith.constant 0 : i32
    %c0_i32_0 = arith.constant 0 : i32
    %c0_i32_1 = arith.constant 0 : i32
    return %c0_i32, %c0_i32_0 : i32, i32
  }
  func.func @transform_12(%arg0: i32) -> (i32, i32) {
    %c0_i32 = arith.constant 0 : i32
    %c0_i32_0 = arith.constant 0 : i32
    %c0_i32_1 = arith.constant 0 : i32
    return %c0_i32, %c0_i32_0 : i32, i32
  }
  func.func @transform_13(%arg0: i32) -> (i32, i32) {
    %c0_i32 = arith.constant 0 : i32
    %c0_i32_0 = arith.constant 0 : i32
    %c0_i32_1 = arith.constant 0 : i32
    return %c0_i32, %c0_i32_0 : i32, i32
  }
  func.func @transform_14(%arg0: i32) -> (i32, i32) {
    %c0_i32 = arith.constant 0 : i32
    %c0_i32_0 = arith.constant 0 : i32
    %c0_i32_1 = arith.constant 0 : i32
    return %c0_i32, %c0_i32_0 : i32, i32
  }
  func.func @transform_15(%arg0: i32) -> (i32, i32) {
    %c0_i32 = arith.constant 0 : i32
    %c0_i32_0 = arith.constant 0 : i32
    %c0_i32_1 = arith.constant 0 : i32
    return %c0_i32, %c0_i32_0 : i32, i32
  }
  func.func @transform_16(%arg0: i32) -> (i32, i32) {
    %c0_i32 = arith.constant 0 : i32
    %c0_i32_0 = arith.constant 0 : i32
    %c0_i32_1 = arith.constant 0 : i32
    return %c0_i32, %c0_i32_0 : i32, i32
  }
  func.func @transform_17(%arg0: i32) -> (i32, i32) {
    %c0_i32 = arith.constant 0 : i32
    %c0_i32_0 = arith.constant 0 : i32
    %c0_i32_1 = arith.constant 0 : i32
    return %c0_i32, %c0_i32_0 : i32, i32
  }
  func.func @transform_18(%arg0: i32) -> (i32, i32) {
    %c0_i32 = arith.constant 0 : i32
    %c0_i32_0 = arith.constant 0 : i32
    %c0_i32_1 = arith.constant 0 : i32
    return %c0_i32, %c0_i32_0 : i32, i32
  }
  func.func @transform_19(%arg0: i32) -> (i32, i32) {
    %c0_i32 = arith.constant 0 : i32
    %c0_i32_0 = arith.constant 0 : i32
    return %arg0, %c0_i32 : i32, i32
  }
}

</mosaic_0001>

<sc_bundles>
// kernel: kernel.4.cloned.1.call-start
scs
__scs_entry_jumppad:
0x0: {  	(pc) =	sbr.rel $0x88, $3  }
0x1: {  	(tag) =	ssettag $0x0;
	lr =	simm.s32 $0x1  }
0x2: {  	[smem:$0x3F8E] =	sst lr;
	_ =	strace $0xD0000000  }
0x3: {  	_ = 	snop  }
0x4: {  	_ = 	snop  }
0x5: {  	_ = 	snop  }
0x6: {  	_ = 	snop  }
0x7: {  	_ = 	snop  }
__scs_overlays_trampoline_lowered:
0x8: {  	[smem:$0x3F9D] =	sst s0  }
0x9: {  	[smem:$0x3F9E] =	sst s1  }
0xa: {  	[smem:$0x3F9F] =	sst s2  }
0xb: {  	[smem:$0x3FA0] =	sst s3  }
0xc: {  	[smem:$0x3FA1] =	sst s4  }
0xd: {  	[smem:$0x3FA2] =	sst s5  }
0xe: {  	[smem:$0x3FA3] =	sst s6  }
0xf: {  	[smem:$0x3FA4] =	sst s7  }
0x10: {  	[smem:$0x3FA5] =	sst s8  }
0x11: {  	[smem:$0x3FA6] =	sst s9;
	s0 =	simm.s32 @!p0 $0x0  }
0x12: {  	s1 =	sld [smem:$0x3F8C];
	s0 =	simm.s32 @p0 $0x1  }
0x13: {  	[smem:$0x3FA7] =	sst s0;
	s0 =	simm.s32 @!p1 $0x0  }
0x14: {  	s2 =	sld [smem:$0x3F8B];
	s0 =	simm.s32 @p1 $0x1  }
0x15: {  	[smem:$0x3FA8] =	sst s0;
	s0 =	simm.s32 @!p2 $0x0  }
0x16: {  	s3 =	sld [smem:$0x3FDB];
	s0 =	simm.s32 @p2 $0x1  }
0x17: {  	s4 =	simm.s32 $0x1BF5;
	[smem:$0x3FAA] =	sst s0  }
0x18: {  	s0 =	sld [smem:$0x3F8D];
	_ =	swait.ge [sflag:s4], $0x0  }
0x19: {  	s7 =	sld [smem:$0x3F8E]  }
0x1a: {  	s8 =	sadd.s32 $0xFFFFE003, lr  }
0x1b: {  	s9 =	sadd.s32 $0xFFFFFEF7, lr;
	s5 =	simm.s32 $0xFFFFFFFF;
	p2 =	slt.u32 s8, $0xFFFFF086  }
0x1c: {  	p1 =	slt.u32 s9, $0xF7A;
	s5 =	simm.s32 @!p2 $0x0  }
0x1d: {  	s5 =	simm.s32 @p1 $0x1;
	p0 =	seq.s32 s7, s2  }
0x1e: {  	s7 =	smul.u32 @!p0 $0xF7A, s2;
	p2 =	seq.s32 @!p0 s5, $0x0  }
0x1f: {  	s9 =	smul.u32 $0xF7A, s1;
	s8 =	simm.s32 @!p0 $0x1BF5;
	p2 =	por !p2, p0  }
0x20: {  	[sflag:s8] =	ssyncset.s32 @!p0 $0xFFFFF086;
	s6 =	sadd.s32 @!p0 s3, s7;
	s7 =	simm.s32 @!p0 $0x108  }
0x21: {  	s3 =	sadd.s32 s3, s9;
	s6 =	sadd.s32 @!p0 $0x88, s6;
	s7 =	simm.s32 @p2 $0x1082  }
0x22: {  	[simem:s7], [sflag:s8] =	dma.local @!p0 [hbm:s6], $0xF7A  }
0x23: {  	s9 =	sor.u32 $0xD0000000, s2;
	s6 =	simm.s32 $0x108;
	_ =	swait.ge @!p0 [sflag:s8], $0x0  }
0x24: {  	s3 =	sadd.s32 $0x88, s3;
	s6 =	simm.s32 @!p1 $0x1082;
	[sflag:s4] =	ssyncset.s32 $0xFFFFF086  }
0x25: {  	[simem:s6], [sflag:s4] =	dma.local [hbm:s3], $0xF7A  }
0x26: {  	[smem:$0x3F8E] =	sst s1;
	(tag) =	ssettag s2;
	_ =	strace s9  }
0x27: {  	s1 =	sld [smem:$0x3F9E]  }
0x28: {  	s2 =	sld [smem:$0x3F9F]  }
0x29: {  	s4 =	sld [smem:$0x3FA1]  }
0x2a: {  	p0 =	seq.s32 s5, $0x0;
	s5 =	sld [smem:$0x3FA2]  }
0x2b: {  	s6 =	sld [smem:$0x3FA3]  }
0x2c: {  	s7 =	sld [smem:$0x3FA4]  }
0x2d: {  	s3 =	simm.s32 $0x108;
	s8 =	sld [smem:$0x3FA5]  }
0x2e: {  	s3 =	simm.s32 @!p0 $0x1082;
	s9 =	sld [smem:$0x3FA6]  }
0x2f: {  	lr =	sadd.s32 s0, s3;
	s0 =	sld [smem:$0x3F9D]  }
0x30: {  	s3 =	sld [smem:$0x3FA0]  }
0x31: {  	[smem:$0x3FA9] =	sst s10  }
0x32: {  	s10 =	sld [smem:$0x3FA7];
	_ =	sdelay $0x3  }
0x33: {  	p0 =	seq.s32 s10, $0x1;
	s10 =	sld [smem:$0x3FA9];
	_ =	sdelay $0x3  }
0x34: {  	[smem:$0x3FA9] =	sst s10  }
0x35: {  	s10 =	sld [smem:$0x3FA8];
	_ =	sdelay $0x3  }
0x36: {  	p1 =	seq.s32 s10, $0x1;
	s10 =	sld [smem:$0x3FA9];
	_ =	sdelay $0x3  }
0x37: {  	[smem:$0x3FA9] =	sst s10  }
0x38: {  	s10 =	sld [smem:$0x3FAA]  }
0x39: {  	_ = 	snop;
	(pc) =	sbr.ind lr, $3  }
0x3a: {  	_ = 	snop  }
0x3b: {  	_ = 	snop  }
0x3c: {  	p2 =	seq.s32 s10, $0x1;
	s10 =	sld [smem:$0x3FA9]  }
0x3d: {  	_ =	shalt  }
0x3e: {  	_ =	shalt  }
0x3f: {  	_ =	shalt  }
0x40: {  	_ =	shalt  }
0x41: {  	_ =	shalt  }
0x42: {  	_ =	shalt  }
0x43: {  	_ =	shalt  }
0x44: {  	_ =	shalt  }
0x45: {  	_ =	shalt  }
0x46: {  	_ =	shalt  }
0x47: {  	_ =	shalt  }
0x48: {  	_ =	shalt  }
0x49: {  	_ =	shalt  }
0x4a: {  	_ =	shalt  }
0x4b: {  	_ =	shalt  }
0x4c: {  	_ =	shalt  }
0x4d: {  	_ =	shalt  }
0x4e: {  	_ =	shalt  }
0x4f: {  	_ =	shalt  }
0x50: {  	_ =	shalt  }
0x51: {  	_ =	shalt  }
0x52: {  	_ =	shalt  }
0x53: {  	_ =	shalt  }
0x54: {  	_ =	shalt  }
0x55: {  	_ =	shalt  }
0x56: {  	_ =	shalt  }
0x57: {  	_ =	shalt  }
0x58: {  	_ =	shalt  }
0x59: {  	_ =	shalt  }
0x5a: {  	_ =	shalt  }
0x5b: {  	_ =	shalt  }
0x5c: {  	_ =	shalt  }
0x5d: {  	_ =	shalt  }
0x5e: {  	_ =	shalt  }
0x5f: {  	_ =	shalt  }
0x60: {  	_ =	shalt  }
0x61: {  	_ =	shalt  }
0x62: {  	_ =	shalt  }
0x63: {  	_ =	shalt  }
0x64: {  	_ =	shalt  }
0x65: {  	_ =	shalt  }
0x66: {  	_ =	shalt  }
0x67: {  	_ =	shalt  }
0x68: {  	_ =	shalt  }
0x69: {  	_ =	shalt  }
0x6a: {  	_ =	shalt  }
0x6b: {  	_ =	shalt  }
0x6c: {  	_ =	shalt  }
0x6d: {  	_ =	shalt  }
0x6e: {  	_ =	shalt  }
0x6f: {  	_ =	shalt  }
0x70: {  	_ =	shalt  }
0x71: {  	_ =	shalt  }
0x72: {  	_ =	shalt  }
0x73: {  	_ =	shalt  }
0x74: {  	_ =	shalt  }
0x75: {  	_ =	shalt  }
0x76: {  	_ =	shalt  }
0x77: {  	_ =	shalt  }
0x78: {  	_ =	shalt  }
0x79: {  	_ =	shalt  }
0x7a: {  	_ =	shalt  }
0x7b: {  	_ =	shalt  }
0x7c: {  	_ =	shalt  }
0x7d: {  	_ =	shalt  }
0x7e: {  	_ =	shalt  }
0x7f: {  	_ =	shalt  }
0x80: {  	_ =	shalt  }
0x81: {  	_ =	shalt  }
0x82: {  	_ =	shalt  }
0x83: {  	_ =	shalt  }
0x84: {  	_ =	shalt  }
0x85: {  	_ =	shalt  }
0x86: {  	_ =	shalt  }
0x87: {  	_ =	shalt  }
.Lfunc_end0:
.L_simem_size_0:
called_computation.1_lowered:
.L_overlay_start_0:
0x88: {  	s2 =	sld [smem:$0x3FD9]  }
0x89: {  	s3 =	sld [smem:$0x3FFE];
	_ =	sdelay $0x1  }
0x8a: {  	s1 =	srdreg.scid  }
0x8b: {  	s0 =	sand.u32 $0x1, s1  }
0x8c: {  	s16 =	sshll.u32 s0, $0xA;
	s2 =	sadd.s32 s3, s2  }
0x8d: {  	s2 =	sadd.s32 s2, s16  }
0x8e: {  	[smem:$0x3FB5] =	sst s2  }
0x8f: {  	_ = 	snop  }
0x90: {  	(tm) =	ssettm $0x1  }
0x91: {  	s17 =	sld [smem:$0x3FFB];
	_ =	sdelay $0x3  }
0x92: {  	_ =	strace s17  }
0x93: {  	s2 =	sld [smem:$0x3FFC];
	_ =	sdelay $0x3  }
0x94: {  	_ =	strace s2  }
0x95: {  	s2 =	sld [smem:$0x3FFD];
	_ =	sdelay $0x3  }
0x96: {  	_ =	strace s2  }
0x97: {  	_ =	strace $0x8FFFFFFF  }
0x98: {  	s18 =	sld [smem:$0x3FDB];
	_ =	sdelay $0x1  }
0x99: {  	s19 =	simm.s32 $_scs_section_size  }
0x9a: {  	s4 =	simm.s32 $_size__tile_overlayer_lowered;
	s5 =	simm.s32 $_tile_overlayer_lowered  }
0x9b: {  	s22 =	simm.s32 $0x1BFF;
	s21 =	sshll.u32 s5, $0x1;
	s2 =	sadd.s32 s19, s18  }
0x9c: {  	s6 =	simm.s32 $0x0;
	s20 =	sshll.u32 s4, $0x1;
	s4 =	sadd.s32 s21, s2  }
0x9d: {  	[timem:s6], [sflag:s22] =	dma.local [hbm:s4], s20  }
0x9e: {  	_ =	swait.ge [sflag:s22], s20  }
0x9f: {  	s3 =	ssub.s32 $0x0, s20;
	[sflag:s22] =	ssyncset.done $0x0  }
0xa0: {  	[sflag:s22] =	ssyncadd.s32 s3;
	_ =	sdelay $0x1  }
0xa1: {  	s23 =	simm.s32 $0x1B8B  }
0xa2: {  	_ =	swait.ge [sflag:s23], $0x1  }
0xa3: {  	[sflag:s23] =	ssyncset.done $0x0  }
0xa4: {  	s25 =	simm.s32 $0x1B8E;
	s24 =	sld [smem:$0x3FFE];
	[sflag:s23] =	ssyncadd.s32 $0xFFFFFFFF  }
0xa5: {  	s26 =	simm.s32 $execute0_lowered;
	[smem:$0x3FD2] =	sst s25  }
0xa6: {  	s4 =	sshll.u32 s26, $0x1;
	_ =	strace $0x80000049;
	[dreg:$0x1] =	wrdreg $0xFFFFFFFF  }
0xa7: {  	s28 =	simm.s32 $_size_execute0_lowered;
	s2 =	sadd.s32 s2, s4;
	[dreg:$0x0] =	wrdreg $0x0  }
0xa8: {  	s4 =	sshll.u32 s28, $0x1;
	[dreg:$0x2] =	wrdreg s2  }
0xa9: {  	[dreg:$0x3] =	wrdreg s4  }
0xaa: {  	[dreg:$0x4] =	wrdreg $0xC0  }
0xab: {  	_ =	task [dreg:s6], $0x5FFFF  }
0xac: {  	[dreg:$0x1] =	wrdreg $0xFFFFFFFF  }
0xad: {  	[dreg:$0x0] =	wrdreg $0x60  }
0xae: {  	[dreg:$0x2] =	wrdreg s24  }
0xaf: {  	[dreg:$0x3] =	wrdreg $0x9  }
0xb0: {  	_ =	task.clear_ibuf [dreg:s6], $0x4FFFF;
	_ =	strace $0x90000049  }
0xb1: {  	s29 =	simm.s32 $0x9;
	_ =	strace $0x8000004B  }
0xb2: {  	_ =	swait.ge [sflag:s29], $0x1  }
0xb3: {  	[sflag:s29] =	ssyncadd.s32 $0xFFFFFFFF  }
0xb4: {  	_ =	strace $0x9000004B  }
0xb5: {  	_ =	sfence  }
0xb6: {  	s30 =	sld [smem:$0x0];
	_ =	sdelay $0x2  }
0xb7: {  	s31 =	sshll.u32 s1, $0xD;
	s1 =	sshrl.u32 s1, $0x2  }
0xb8: {  	s3 =	sand.u32 $0x4000, s31;
	s1 =	sadd.s32 s1, s30  }
0xb9: {  	s0 =	sor.u32 s3, s0;
	s1 =	sshll.u32 s1, $0x11  }
0xba: {  	s0 =	sor.u32 s1, s0  }
0xbb: {  	s0 =	sadd.s32 $0x8F2B, s0  }
0xbc: {  	[sflag:s0] =	ssyncadd.remote.s32 $0x1  }
0xbd: {  	_ =	sfence.sel $0xFFFF  }
0xbe: {  	[dreg:$0x0] =	wrdreg $0xFFFFFFFF;
	(pc) =	sbr.abs _section_cstart, $3  }
0xbf: {  	[dreg:$0x1] =	wrdreg $0xFFFFFFFF  }
0xc0: {  	_ =	task.clear_ibuf [dreg:s6], $0x2FFFF;
	_ =	strace $0x9FFFFFFF  }
0xc1: {  	(tm) =	ssettm $0x7FFFFFFF  }
tec
execute0_lowered:
.L_overlay_start_1:
0x0: {  	(tag) =	ssettag $0x1  }
0x1: {  	s4 =	rddreg [dreg:$0x0]  }
0x2: {  	s0 =	rddreg [dreg:$0x1];
	s2 =	simm.s32 $0x0;
	s1 =	stileid.u32  }
0x3: {  	s3 =	srdreg.scid;
	s10 =	simm.s32 $0x0;
	s6 =	smul.u32 $0x1A00, s1  }
0x4: {  	[smem:$0x7FF] =	sst s2;
	s5 =	sand.u32 $0x1, s3;
	s8 =	smul.u32 $0x1A000, s1  }
0x5: {  	s3 =	sadd.s32 $0x13DBC00, s4;
	s7 =	smul.u32 $0xD00, s5;
	s9 =	ssub.s32 $0x2, s5  }
0x6: {  	_ =	strace $0x8000004A;
	s5 =	smul.u32 $0xD000, s5;
	s31 =	sshrl.u32 s9, $0x1  }
0x7: {  	s8 =	sadd.s32 s8, s4;
	s6 =	sadd.s32 s7, s6;
	s7 =	ssub.s32 s9, s31  }
0x8: {  	s5 =	sadd.s32 s5, s8;
	s8 =	simm.s32 $0x80;
	s6 =	sshrl.u32 s6, $0x3  }
0x9: {  	s9 =	simm.s32 $0x1;
	s5 =	sadd.s32 $0x2600, s5;
	s6 =	sadd.s32 s6, s4  }
0xa: {  	s4 =	smax.u32 s7, $0x1;
	s7 =	simm.s32 $0x2;
	s6 =	sadd.s32 $0x13D8800, s6  }
.LBB2_1:
0xb: {  	s11 =	sadd.s32 $0x0, s6  }
0xc: {  	[tilespmem:s2], [sflag:$0x2] =	stream.linear.gather [hbm4b:s11+s2], $0x80, $0x38;
	[tilespmem:$0x4080] =	vst v63  }
0xd: {  	_ =	swait.ge [sflag:s7], $0x80  }
0xe: {  	[sflag:s7] =	ssyncset.done $0x0  }
0xf: {  	[sflag:s7] =	ssyncadd.s32 $0xFFFFFF80  }
0x10: {  	[tilespmem:s8], [sflag:$0x1] =	stream.indirect.gather [hbm4b:s3+s8], $0x80, s2, s8, $0xb8;
	[tilespmem:$0x4080] =	vst v63  }
0x11: {  	_ =	swait.ge [sflag:s9], $0x4000  }
0x12: {  	[sflag:s9] =	ssyncset.done $0x0  }
0x13: {  	[sflag:s9] =	ssyncadd.s32 $0xFFFFC000  }
0x14: {  	[hbm4b:s5+s2] =	stream.linear.scatter [tilespmem:s8], [sflag:$0x2], $0x4000, $0x38;
	[tilespmem:$0x4080] =	vst v63  }
0x15: {  	s12 =	simm.s32 $0x10;
	_ =	swait.ge [sflag:s7], $0x4000  }
0x16: {  	s13 =	simm.s32 $0x20;
	s11 =	sadd.s32 $0x800, s5;
	[sflag:s7] =	ssyncset.done $0x0  }
.LBB2_2:
0x17: {  	s14 =	sadd.s32 s12, s6  }
0x18: {  	[sflag:s7] =	ssyncadd.s32 $0xFFFFC000;
	s12 =	smov.u32 s13;
	s15 =	sadd.s32 $0x10, s13  }
0x19: {  	[tilespmem:s2], [sflag:$0x2] =	stream.linear.gather [hbm4b:s14+s2], $0x80, $0x38;
	[tilespmem:$0x4080] =	vst v63  }
0x1a: {  	p0 =	sne.s32 s13, $0x190;
	_ =	swait.ge [sflag:s7], $0x80  }
0x1b: {  	[sflag:s7] =	ssyncset.done $0x0  }
0x1c: {  	[sflag:s7] =	ssyncadd.s32 $0xFFFFFF80  }
0x1d: {  	[tilespmem:s8], [sflag:$0x1] =	stream.indirect.gather [hbm4b:s3+s8], $0x80, s2, s8, $0xb8;
	[tilespmem:$0x4080] =	vst v63  }
0x1e: {  	_ =	swait.ge [sflag:s9], $0x4000  }
.Ltmp0:
0x1f: {  	[sflag:s9] =	ssyncset.done $0x0;
	(pc) =	sbr.rel @p0 .LBB2_2-.Ltmp0, $4  }
0x20: {  	[sflag:s9] =	ssyncadd.s32 $0xFFFFC000  }
0x21: {  	[hbm4b:s11+s2] =	stream.linear.scatter [tilespmem:s8], [sflag:$0x2], $0x4000, $0x38;
	[tilespmem:$0x4080] =	vst v63  }
0x22: {  	_ =	swait.ge [sflag:s7], $0x4000  }
0x23: {  	s13 =	smov.u32 s15;
	s11 =	sadd.s32 $0x800, s11;
	[sflag:s7] =	ssyncset.done $0x0  }
0x24: {  	s12 =	sadd.s32 s12, s6;
	[sflag:s7] =	ssyncadd.s32 $0xFFFFC000  }
0x25: {  	[tilespmem:s2], [sflag:$0x2] =	stream.linear.gather [hbm4b:s12+s2], $0x80, $0x38;
	[tilespmem:$0x4080] =	vst v63  }
0x26: {  	_ =	swait.ge [sflag:s7], $0x80  }
0x27: {  	[sflag:s7] =	ssyncset.done $0x0  }
0x28: {  	[sflag:s7] =	ssyncadd.s32 $0xFFFFFF80  }
0x29: {  	[tilespmem:s8], [sflag:$0x1] =	stream.indirect.gather [hbm4b:s3+s8], $0x80, s2, s8, $0xb8;
	[tilespmem:$0x4080] =	vst v63  }
0x2a: {  	s10 =	sadd.s32 $0x1, s10;
	_ =	swait.ge [sflag:s9], $0x4000  }
0x2b: {  	p0 =	sne.s32 s10, s4;
	[sflag:s9] =	ssyncset.done $0x0  }
.Ltmp1:
0x2c: {  	[sflag:s9] =	ssyncadd.s32 $0xFFFFC000;
	(pc) =	sbr.rel @p0 .LBB2_1-.Ltmp1, $4  }
0x2d: {  	[hbm4b:s11+s2] =	stream.linear.scatter [tilespmem:s8], [sflag:$0x2], $0x4000, $0x38;
	[tilespmem:$0x4080] =	vst v63  }
0x2e: {  	_ =	swait.ge [sflag:s7], $0x4000  }
0x2f: {  	[sflag:s7] =	ssyncset.done $0x0  }
0x30: {  	[sflag:s7] =	ssyncadd.s32 $0xFFFFC000  }
0x31: {  	_ =	sfence.sel $0x180000  }
0x32: {  	[bflag:$0x0] =	sbarrier.arrive $0xFFFF  }
0x33: {  	p0 =	sne.s32 s1, $0x0;
	_ =	strace $0x9000004A  }
0x34: {  	s0 =	sadd.s32 @!p0 $0x100000, s0;
	[bflag:$0x2] =	sbarrier.arrive $0xFFFF  }
0x35: {  	[sflag:s0] =	ssyncadd.tile.s32 @!p0 $0x1;
	_ =	shalt  }
.Lfunc_end2:
_tile_overlayer_lowered:
.L_overlay_start_2:
0x36: {  	(tag) =	ssettag $0x2  }
0x37: {  	s0 =	rddreg [dreg:$0x0];
	s2 =	stileid.u32  }
0x38: {  	s1 =	rddreg [dreg:$0x1];
	p0 =	sne.s32 s2, $0x0  }
0x39: {  	s3 =	rddreg [dreg:$0x2];
	[bflag:$0x3] =	sbarrier.arrive $0xFFFF;
	s2 =	simm.s32 @!p0 $0x1C02  }
0x3a: {  	[timem:s3], [sflag:s2] =	dma.local @!p0 [hbm:s0], s1  }
0x3b: {  	s0 =	simm.s32 @!p0 $0x2  }
0x3c: {  	_ =	swait.ge @!p0 [sflag:s0], s1  }
0x3d: {  	s1 =	ssub.s32 @!p0 $0x0, s1;
	[sflag:s0] =	ssyncset.done @!p0 $0x0  }
0x3e: {  	[sflag:s0] =	ssyncadd.s32 @!p0 s1  }
0x3f: {  	[bflag:$0x3] =	sbarrier.arrive $0xFFFF  }
0x40: {  	_ =	shalt  }

// kernel: sparse-core-data-format-call.cloned.1.call-start
scs
called_computation_lowered:
.L_overlay_start_0:
0x0: {  	s2 =	sld [smem:$0x3FD9]  }
0x1: {  	s3 =	sld [smem:$0x3FFE];
	_ =	sdelay $0x1  }
0x2: {  	s1 =	srdreg.scid  }
0x3: {  	s0 =	sand.u32 $0x1, s1  }
0x4: {  	s18 =	sshll.u32 s0, $0xA;
	s2 =	sadd.s32 s3, s2  }
0x5: {  	s2 =	sadd.s32 s2, s18  }
0x6: {  	[smem:$0x3FB5] =	sst s2  }
0x7: {  	_ = 	snop  }
0x8: {  	s2 =	sld [smem:$0x3FC7];
	(tm) =	ssettm $0x1  }
0x9: {  	s19 =	sld [smem:$0x3FFB];
	_ =	sdelay $0x3  }
0xa: {  	_ =	strace s19  }
0xb: {  	s3 =	sld [smem:$0x3FFC];
	_ =	sdelay $0x3  }
0xc: {  	_ =	strace s3  }
0xd: {  	s3 =	sld [smem:$0x3FFD];
	_ =	sdelay $0x3  }
0xe: {  	_ =	strace s3  }
0xf: {  	_ =	strace $0x8FFFFFFF  }
0x10: {  	s20 =	sld [smem:$0x3FDB];
	_ =	sdelay $0x1  }
0x11: {  	s4 =	simm.s32 $_scs_section_size  }
0x12: {  	s5 =	simm.s32 $_size__tile_overlayer_lowered;
	s6 =	simm.s32 $_tile_overlayer_lowered  }
0x13: {  	s23 =	simm.s32 $0x1BFF;
	s22 =	sshll.u32 s6, $0x1;
	s3 =	sadd.s32 s4, s20  }
0x14: {  	s7 =	simm.s32 $0x0;
	s21 =	sshll.u32 s5, $0x1;
	s5 =	sadd.s32 s22, s3  }
0x15: {  	[timem:s7], [sflag:s23] =	dma.local [hbm:s5], s21  }
0x16: {  	_ =	swait.ge [sflag:s23], s21  }
0x17: {  	s4 =	ssub.s32 $0x0, s21;
	[sflag:s23] =	ssyncset.done $0x0  }
0x18: {  	[sflag:s23] =	ssyncadd.s32 s4;
	_ =	sdelay $0x1  }
0x19: {  	s24 =	simm.s32 $0x1B8B  }
0x1a: {  	_ =	swait.ge [sflag:s24], $0x1  }
0x1b: {  	[sflag:s24] =	ssyncset.done $0x0  }
0x1c: {  	s26 =	simm.s32 $0x1B8E;
	s25 =	sld [smem:$0x3FFE];
	[sflag:s24] =	ssyncadd.s32 $0xFFFFFFFF  }
0x1d: {  	s27 =	simm.s32 $execute0_lowered;
	[smem:$0x3FD2] =	sst s26  }
0x1e: {  	s5 =	sshll.u32 s27, $0x1;
	_ =	strace $0x80000046;
	[dreg:$0x1] =	wrdreg $0xFFFFFFFF  }
0x1f: {  	s28 =	simm.s32 $_size_execute0_lowered;
	s3 =	sadd.s32 s3, s5;
	[dreg:$0x0] =	wrdreg $0x0  }
0x20: {  	s5 =	sshll.u32 s28, $0x1;
	[dreg:$0x2] =	wrdreg s3  }
0x21: {  	[dreg:$0x3] =	wrdreg s5  }
0x22: {  	[dreg:$0x4] =	wrdreg $0xC0  }
0x23: {  	_ =	task [dreg:s7], $0x5FFFF  }
0x24: {  	[dreg:$0x1] =	wrdreg $0xFFFFFFFF  }
0x25: {  	[dreg:$0x0] =	wrdreg $0x60  }
0x26: {  	[dreg:$0x2] =	wrdreg s2  }
0x27: {  	[dreg:$0x3] =	wrdreg s25  }
0x28: {  	[dreg:$0x4] =	wrdreg $0x9  }
0x29: {  	_ =	task.clear_ibuf [dreg:s7], $0x5FFFF;
	_ =	strace $0x90000046  }
0x2a: {  	s29 =	simm.s32 $0x9;
	_ =	strace $0x80000048  }
0x2b: {  	_ =	swait.ge [sflag:s29], $0x1  }
0x2c: {  	[sflag:s29] =	ssyncadd.s32 $0xFFFFFFFF  }
0x2d: {  	_ =	strace $0x90000048  }
0x2e: {  	_ =	sfence  }
0x2f: {  	s30 =	sld [smem:$0x0];
	_ =	sdelay $0x2  }
0x30: {  	s31 =	sshll.u32 s1, $0xD;
	s1 =	sshrl.u32 s1, $0x2  }
0x31: {  	s3 =	sand.u32 $0x4000, s31;
	s1 =	sadd.s32 s1, s30  }
0x32: {  	s0 =	sor.u32 s3, s0;
	s1 =	sshll.u32 s1, $0x11  }
0x33: {  	s0 =	sor.u32 s1, s0  }
0x34: {  	s0 =	sadd.s32 $0x8F2B, s0  }
0x35: {  	[sflag:s0] =	ssyncadd.remote.s32 $0x1  }
0x36: {  	_ =	sfence.sel $0xFFFF  }
0x37: {  	[dreg:$0x0] =	wrdreg $0xFFFFFFFF;
	(pc) =	sbr.abs _section_cstart, $3  }
0x38: {  	[dreg:$0x1] =	wrdreg $0xFFFFFFFF  }
0x39: {  	_ =	task.clear_ibuf [dreg:s7], $0x2FFFF;
	_ =	strace $0x9FFFFFFF  }
0x3a: {  	(tm) =	ssettm $0x7FFFFFFF  }
0x3b: {  	_ =	shalt  }
tec
execute0_lowered:
.L_overlay_start_1:
0x0: {  	(tag) =	ssettag $0x1  }
0x1: {  	s2 =	rddreg [dreg:$0x0]  }
0x2: {  	s0 =	srdreg.scid;
	s5 =	rddreg [dreg:$0x1]  }
0x3: {  	s31 =	simm.s32 $0x2;
	s15 =	simm.s32 $0x0;
	s1 =	sshll.u32 s0, $0x4  }
0x4: {  	p0 =	por $0x0, $0x0;
	s0 =	stileid.u32;
	s1 =	sand.u32 $0x10, s1  }
0x5: {  	s8 =	simm.s32 $0x3400;
	s14 =	simm.s32 $0x0;
	s1 =	sor.u32 s0, s1  }
0x6: {  	s9 =	simm.s32 $0x0;
	s10 =	simm.s32 $0x0;
	s3 =	sshll.u32 s1, $0x7  }
.Ltmp0:
0x7: {  	s12 =	simm.s32 $0x0;
	s4 =	ssub.s32 $0x18680, s3;
	(pc) =	sbr.rel .LBB1_1-.Ltmp0, $4  }
0x8: {  	s13 =	simm.s32 $0x0;
	s1 =	rddreg [dreg:$0x2];
	s6 =	sshrl.u32 s4, $0xC  }
0x9: {  	_ =	strace $0x80000047;
	s4 =	simm.s32 $0x1;
	s7 =	smul.u32 $0xD, s6  }
0xa: {  	s5 =	sadd.s32 $0x2600, s5;
	s11 =	smov.u32 s3;
	[sflag:s4] =	ssyncpa.u1 $0x0  }
0xb: {  	[sflag:s31] =	ssyncpa.u1 $0x0;
	s6 =	sadd.s32 $0xD, s7;
	s7 =	sadd.s32 $0xE, s7  }
.LBB1_5:
0xc: {  	p1 =	slt.u32 s13, $0x2  }
0xd: {  	s17 =	smov.u32 s15;
	p2 =	sgt.s32 @!p1 s15, $0x18620;
	s16 =	sshra.s32 @!p1 s15, $0x1F  }
0xe: {  	p3 =	sgt.s32 @!p1 s14, $0x600;
	s18 =	sshra.s32 @!p1 s14, $0x1F;
	p2 =	por !p2, p1  }
0xf: {  	s15 =	sand.u32 @!p1 s16, s15;
	p3 =	por !p3, p1;
	s16 =	smov.u32 s14  }
0x10: {  	s14 =	sand.u32 @!p1 s18, s14;
	s17 =	simm.s32 @p2 $0x18620;
	s16 =	simm.s32 @p3 $0x600  }
0x11: {  	s15 =	ssub.s32 @!p1 s17, s15;
	s14 =	ssub.s32 @!p1 s16, s14  }
0x12: {  	s18 =	smov.u32 s12;
	s16 =	sadd.s32 @!p1 $0xFFFE79E0, s15;
	s17 =	sadd.s32 @!p1 $0xFFFFFA00, s14  }
0x13: {  	s15 =	ssub.s32 @!p1 $0x186A0, s15;
	p2 =	sgt.s32 @!p1 s16, $0x7F;
	p3 =	sgt.s32 @!p1 s17, $0x7F  }
0x14: {  	s14 =	ssub.s32 @!p1 $0x680, s14;
	p2 =	por !p2, p1;
	p3 =	por !p3, p1  }
0x15: {  	s16 =	sadd.s32 $0x1000, s11;
	s15 =	simm.s32 @!p2 $0x0;
	s14 =	simm.s32 @!p3 $0x0  }
0x16: {  	p2 =	sgt.s32 s16, $0x1869F;
	s14 =	smul.u32 @!p1 s14, s15;
	s15 =	sadd.s32 $0x80, s12  }
0x17: {  	s18 =	smov.u32 @p2 s15  }
0x18: {  	s16 =	smov.u32 @p2 s3;
	p2 =	sgt.s32 s18, $0x67F  }
0x19: {  	s18 =	simm.s32 @p2 $0x0;
	p2 =	sne.s32 s13, s7  }
.Ltmp1:
0x1a: {  	p0 =	por !p0, !p0;
	s17 =	simm.s32 @!p1 $0x2;
	(pc) =	sbr.rel @!p2 .LBB1_6-.Ltmp1, $4  }
0x1b: {  	s15 =	smov.u32 s9;
	s9 =	smov.u32 s11;
	s14 =	sand.u32 @!p1 $0x3FFFFFFF, s14  }
0x1c: {  	s11 =	smov.u32 s16;
	_ =	swait.ge @!p1 [sflag:s17], s14;
	s19 =	ssub.s32 @!p1 $0x0, s14  }
0x1d: {  	s14 =	smov.u32 s10;
	s13 =	sadd.s32 $0x1, s13;
	[sflag:s17] =	ssyncset.done @!p1 $0x0  }
0x1e: {  	s10 =	smov.u32 s12;
	s12 =	smov.u32 s18;
	[sflag:s17] =	ssyncadd.s32 @!p1 s19  }
.LBB1_1:
0x1f: {  	p1 =	sge.u32 s13, s6  }
0x20: {  	s16 =	sshrl.u32 @!p1 s12, $0x3  }
0x21: {  	s17 =	sshll.u32 @!p1 s11, $0x3;
	s16 =	smul.u32 @!p1 $0xC3800, s16  }
0x22: {  	s18 =	sshll.u32 @!p1 s12, $0x7;
	s17 =	sand.u32 @!p1 $0xFFFFFC00, s17  }
0x23: {  	s16 =	sadd.s32 @!p1 s16, s17;
	s17 =	sand.u32 @!p1 $0x380, s18  }
0x24: {  	s16 =	sor.u32 @!p1 s17, s16  }
0x25: {  	s18 =	sand.u32 @!p1 $0x7F, s11;
	s17 =	smulhi.u32 @!p1 $0xA79C7B17, s16  }
0x26: {  	s16 =	sor.u32 @!p1 s18, s16  }
0x27: {  	s19 =	smulhi.u32 @!p1 $0xA79C7B17, s16;
	s17 =	sshrl.u32 @!p1 s17, $0x10  }
0x28: {  	s18 =	smul.u32 @!p1 $0x4EC5, s17  }
0x29: {  	s19 =	sshrl.u32 @!p1 s19, $0x10  }
0x2a: {  	s19 =	smul.u32 @!p1 $0x18700, s19;
	s18 =	sshrl.u32 @!p1 s18, $0x19  }
0x2b: {  	s18 =	smul.u32 @!p1 $0x680, s18;
	_ =	sdelay $0x1  }
0x2c: {  	s16 =	ssub.s32 @!p1 s16, s19;
	s17 =	ssub.s32 @!p1 s17, s18  }
0x2d: {  	s19 =	sshrl.u32 @!p1 s16, $0x3;
	s16 =	sand.u32 @!p1 $0x7, s16;
	s17 =	sand.u32 @!p1 $0xFFFF, s17  }
0x2e: {  	s18 =	sxor.u32 @!p1 $0xFFFFFFFF, s13;
	s16 =	sshll.u32 @!p1 s16, $0x12;
	s17 =	smul.u32 @!p1 $0x30E0, s17  }
0x2f: {  	s19 =	sadd.s32 @!p1 s2, s19;
	s18 =	sshll.u32 @!p1 s18, $0xE;
	s16 =	sor.u32 @!p1 $0x400, s16  }
0x30: {  	s18 =	sand.u32 @!p1 $0x4000, s18;
	s17 =	sadd.s32 @!p1 s17, s19;
	s19 =	simm.s32 @!p1 $0xC3800  }
0x31: {  	[tilespmem:s18], [sflag:$0x1] =	stream.strided.gather @!p1 [hbm4b:s17+s16], $0x4000, s19, s16, $0x38;
	[tilespmem:$0x10100] =	vst v63  }
0x32: {  	p1 =	seq.s32 s13, $0x0  }
0x33: {  	p2 =	sge.u32 @!p1 s13, s7  }
0x34: {  	p1 =	por p1, p2  }
.Ltmp2:
0x35: {  	_ = 	snop;
	(pc) =	sbr.rel @p1 .LBB1_5-.Ltmp2, $1  }
0x36: {  	_ =	sdelay $0x3  }
0x37: {  	s16 =	simm.s32 $0x1  }
0x38: {  	_ =	swait.ge [sflag:s4], $0x4000;
	s16 =	simm.s32 @!p0 $0x0  }
0x39: {  	[sflag:s4] =	ssyncset.done $0x0;
	s17 =	sshll.u32 s16, $0xE  }
0x3a: {  	[sflag:s4] =	ssyncadd.s32 $0xFFFFC000;
	s17 =	sor.u32 $0x40, s17  }
0x3b: {  	s16 =	smul.u32 $0x10200, s16;
	v0 =	vld [tilespmem:s17+$0x30]  }
0x3c: {  	v1 =	vld [tilespmem:s17+$0xFFFFFFD0]  }
0x3d: {  	s16 =	sshrl.u32 s16, $0x2;
	v5 =	vld [tilespmem:s17+$0xFFFFFFE0]  }
0x3e: {  	v6 =	vld [tilespmem:s17+$0xFFFFFFF0];
	s19 =	sor.u32 $0x8000, s16  }
0x3f: {  	s31 =	sand.u32 $0x1, s13;
	v4 =	vld [tilespmem:s17+$0x0];
	s18 =	sadd.s32 $0x0, s19  }
0x40: {  	v3 =	vld [tilespmem:s17+$0x10];
	s16 =	smul.u32 $0x10200, s31;
	[tilespmem:s18+$0x3870 ss:$0x81] =	vst.msk $0xffff, v0  }
0x41: {  	v2 =	vld [tilespmem:s17+$0x20];
	[tilespmem:s18+$0x810 ss:$0x81] =	vst.msk $0xffff, v1  }
0x42: {  	s16 =	sshrl.u32 s16, $0x2;
	v0 =	vld [tilespmem:s17+$0xFFFFFFC0];
	[tilespmem:s18+$0x1020 ss:$0x81] =	vst.msk $0xffff, v5;
	s17 =	sadd.s32 $0x80, s17  }
0x43: {  	s20 =	simm.s32 $0x4;
	s21 =	simm.s32 $0x8;
	s16 =	sor.u32 $0x8000, s16;
	[tilespmem:s18+$0x1830 ss:$0x81] =	vst.msk $0xffff, v6;
	v1 =	vld [tilespmem:s17+$0x30]  }
.LBB1_3:
0x44: {  	p1 =	sne.s32 s21, $0x1FC;
	v5 =	vld [tilespmem:s17+$0xFFFFFFD0];
	[tilespmem:s18+$0x2040 ss:$0x81] =	vst.msk $0xffff, v4  }
0x45: {  	v6 =	vld [tilespmem:s17+$0xFFFFFFE0];
	[tilespmem:s18+$0x2850 ss:$0x81] =	vst.msk $0xffff, v3  }
0x46: {  	s22 =	sshra.s32 s20, $0x2;
	s20 =	smov.u32 s21;
	v7 =	vld [tilespmem:s17+$0xFFFFFFF0];
	[tilespmem:s18+$0x3060 ss:$0x81] =	vst.msk $0xffff, v2  }
.Ltmp3:
0x47: {  	v4 =	vld [tilespmem:s17+$0x0];
	[tilespmem:s18+$0x0 ss:$0x81] =	vst.msk $0xffff, v0;
	s18 =	sadd.s32 s22, s19;
	(pc) =	sbr.rel @p1 .LBB1_3-.Ltmp3, $4  }
0x48: {  	v3 =	vld [tilespmem:s17+$0x10];
	[tilespmem:s18+$0x3870 ss:$0x81] =	vst.msk $0xffff, v1  }
0x49: {  	[tilespmem:s18+$0x810 ss:$0x81] =	vst.msk $0xffff, v5;
	v2 =	vld [tilespmem:s17+$0x20]  }
0x4a: {  	v0 =	vld [tilespmem:s17+$0xFFFFFFC0];
	[tilespmem:s18+$0x1020 ss:$0x81] =	vst.msk $0xffff, v6;
	s17 =	sadd.s32 $0x80, s17  }
0x4b: {  	s21 =	sadd.s32 $0x4, s21;
	v1 =	vld [tilespmem:s17+$0x30];
	[tilespmem:s18+$0x1830 ss:$0x81] =	vst.msk $0xffff, v7  }
0x4c: {  	s21 =	sshrl.u32 s9, $0x3  }
0x4d: {  	s22 =	sshll.u32 s10, $0x3;
	s23 =	sshll.u32 s9, $0x7;
	s20 =	sshra.s32 s20, $0x2  }
0x4e: {  	s29 =	sand.u32 $0x7F, s10;
	p1 =	sgt.s32 s9, $0x18620;
	s21 =	smul.u32 $0x3400, s21  }
0x4f: {  	s24 =	sshra.s32 s9, $0x1F;
	s25 =	sshra.s32 s10, $0x1F;
	s22 =	sand.u32 $0xFFFFFC00, s22  }
0x50: {  	s28 =	sand.u32 $0x380, s23;
	s23 =	smov.u32 s9;
	s21 =	sadd.s32 s22, s21  }
0x51: {  	s24 =	sand.u32 s24, s9;
	s25 =	sand.u32 s25, s10;
	s21 =	sor.u32 s28, s21  }
0x52: {  	v5 =	vld [tilespmem:s17+$0xFFFFFFD0];
	s23 =	simm.s32 @!p1 $0x18620;
	s30 =	sor.u32 s29, s21;
	s21 =	smulhi.u32 $0x4EC4EC4F, s21  }
0x53: {  	[tilespmem:s18+$0x2040 ss:$0x81] =	vst.msk $0xffff, v4;
	v58 =	vld [tilespmem:s17+$0xFFFFFFE0];
	p1 =	sgt.s32 s10, $0x600;
	s23 =	ssub.s32 s23, s24;
	s24 =	smov.u32 s10  }
0x54: {  	[tilespmem:s18+$0x2850 ss:$0x81] =	vst.msk $0xffff, v3;
	s24 =	simm.s32 @!p1 $0x600;
	s31 =	smulhi.u32 $0x4EC4EC4F, s30;
	s21 =	sshrl.u32 s21, $0x9  }
0x55: {  	v59 =	vld [tilespmem:s17+$0xFFFFFFF0];
	[tilespmem:s18+$0x3060 ss:$0x81] =	vst.msk $0xffff, v2;
	s27 =	sadd.s32 $0xFFFE79E0, s23;
	s24 =	ssub.s32 s24, s25;
	s26 =	smulhi.u32 $0x53E2D7, s21  }
0x56: {  	v60 =	vld [tilespmem:s17+$0x0];
	s19 =	sadd.s32 s20, s19;
	[tilespmem:s18+$0x0 ss:$0x81] =	vst.msk $0xffff, v0;
	p1 =	sgt.s32 s27, $0x7F;
	s28 =	sadd.s32 $0xFFFFFA00, s24  }
0x57: {  	v61 =	vld [tilespmem:s17+$0x10];
	[tilespmem:s19+$0x3870 ss:$0x81] =	vst.msk $0xffff, v1;
	p2 =	sgt.s32 s28, $0x7F;
	s22 =	sshrl.u32 s31, $0x9;
	s18 =	sshrl.u32 s26, $0x7  }
0x58: {  	v62 =	vld [tilespmem:s17+$0x20];
	[tilespmem:s19+$0x810 ss:$0x81] =	vst.msk $0xffff, v5;
	s29 =	smul.u32 $0x186A0, s18;
	s18 =	ssub.s32 $0x186A0, s23;
	s23 =	ssub.s32 $0x680, s24  }
0x59: {  	v63 =	vld [tilespmem:s17+$0xFFFFFFC0];
	[tilespmem:s19+$0x1020 ss:$0x81] =	vst.msk $0xffff, v58;
	s22 =	smul.u32 $0x680, s22;
	s18 =	simm.s32 @p1 $0x0;
	s23 =	simm.s32 @p2 $0x0  }
0x5a: {  	[tilespmem:s19+$0x1830 ss:$0x81] =	vst.msk $0xffff, v59;
	s18 =	smul.u32 s23, s18  }
.Ltmp4:
0x5b: {  	[tilespmem:s19+$0x2040 ss:$0x81] =	vst.msk $0xffff, v60;
	s20 =	ssub.s32 s30, s22;
	s17 =	ssub.s32 s21, s29;
	(pc) =	sbr.rel .LBB1_5-.Ltmp4, $4  }
0x5c: {  	[tilespmem:s19+$0x2850 ss:$0x81] =	vst.msk $0xffff, v61;
	s30 =	sshrl.u32 s20, $0x3;
	s20 =	sand.u32 $0x7, s20;
	s17 =	smul.u32 $0xD0, s17  }
0x5d: {  	[tilespmem:s19+$0x3060 ss:$0x81] =	vst.msk $0xffff, v62;
	s21 =	sadd.s32 s5, s30;
	s20 =	sshll.u32 s20, $0x12  }
0x5e: {  	[tilespmem:s19+$0x0 ss:$0x81] =	vst.msk $0xffff, v63;
	s31 =	sor.u32 $0x400, s20;
	s18 =	sand.u32 $0x3FFFFFFF, s18;
	s17 =	sadd.s32 s17, s21  }
0x5f: {  	[hbm4b:s17+s31] =	stream.strided.scatter [tilespmem:s16], [sflag:$0x2], s18, s8, s31, $0x20;
	[tilespmem:$0x10100] =	vst v63  }
.LBB1_6:
0x60: {  	_ =	sfence.sel $0x180000  }
0x61: {  	s2 =	simm.s32 $0x1;
	[bflag:$0x0] =	sbarrier.arrive $0xFFFF  }
0x62: {  	s31 =	simm.s32 $0x2;
	[sflag:s2] =	ssyncpa.u1 $0x1  }
0x63: {  	[sflag:s31] =	ssyncpa.u1 $0x1  }
0x64: {  	p0 =	sne.s32 s0, $0x0;
	_ =	strace $0x90000047  }
0x65: {  	s0 =	sadd.s32 @!p0 $0x100000, s1;
	[bflag:$0x2] =	sbarrier.arrive $0xFFFF  }
0x66: {  	[sflag:s0] =	ssyncadd.tile.s32 @!p0 $0x1;
	_ =	shalt  }
.Lfunc_end1:
_tile_overlayer_lowered:
.L_overlay_start_2:
0x67: {  	(tag) =	ssettag $0x2  }
0x68: {  	s0 =	rddreg [dreg:$0x0];
	s2 =	stileid.u32  }
0x69: {  	s1 =	rddreg [dreg:$0x1];
	p0 =	sne.s32 s2, $0x0  }
0x6a: {  	s3 =	rddreg [dreg:$0x2];
	[bflag:$0x3] =	sbarrier.arrive $0xFFFF;
	s2 =	simm.s32 @!p0 $0x1C01  }
0x6b: {  	[timem:s3], [sflag:s2] =	dma.local @!p0 [hbm:s0], s1  }
0x6c: {  	s0 =	simm.s32 @!p0 $0x1  }
0x6d: {  	_ =	swait.ge @!p0 [sflag:s0], s1  }
0x6e: {  	s1 =	ssub.s32 @!p0 $0x0, s1;
	[sflag:s0] =	ssyncset.done @!p0 $0x0  }
0x6f: {  	[sflag:s0] =	ssyncadd.s32 @!p0 s1  }
0x70: {  	[bflag:$0x3] =	sbarrier.arrive $0xFFFF  }
0x71: {  	_ =	shalt  }

</sc_bundles>
